<compile_context>
chip_gen: v7x
topology: tpu7x:2x2x1
jax: 0.10.2.dev20260603
libtpu: 0.0.44.dev20260713+nightly
codegen_flags: <defaults>
</compile_context>

<pallas_src>
import jax
import jax.numpy as jnp
from jax import lax
from jax.experimental import pallas as pl
from jax.experimental.pallas import tpu as pltpu, tpu_sc as plsc


def kernel(ids, table):
    batch = ids.shape[0]
    dim = table.shape[1]
    info = plsc.get_sparse_core_info()
    num_cores = info.num_cores
    ns = info.num_subcores
    nw = num_cores * ns
    bpw = batch // nw

    nb = 4
    chunk = bpw // nb

    mesh = plsc.VectorSubcoreMesh(core_axis_name="c", subcore_axis_name="s")
    ids32 = ids.astype(jnp.int32)

    def body(ids_hbm, table_hbm, out_hbm, idx_v, rows_v, shared, isem, gsem, wsem):
        cid = lax.axis_index("c")
        sid = lax.axis_index("s")
        wid = sid * num_cores + cid
        base = wid * bpw
        pltpu.async_copy(ids_hbm.at[pl.ds(base, bpw)], idx_v, isem).wait()
        gathers = [
            pltpu.async_copy(table_hbm.at[idx_v.at[pl.ds(b * chunk, chunk)]],
                             rows_v.at[pl.ds(b * chunk, chunk)], gsem.at[b])
            for b in range(nb)
        ]
        writes = []
        for b in range(nb):
            gathers[b].wait()
            slot = (sid * 2 + (b % 2)) * chunk
            if b >= 2:
                writes[b - 2].wait()
            pltpu.sync_copy(rows_v.at[pl.ds(b * chunk, chunk)],
                            shared.at[pl.ds(slot, chunk)])
            writes.append(pltpu.async_copy(
                shared.at[pl.ds(slot, chunk)],
                out_hbm.at[pl.ds(base + b * chunk, chunk)], wsem.at[b % 2]))
        for w in writes[-2:]:
            w.wait()

    f = pl.kernel(
        body,
        out_type=jax.ShapeDtypeStruct((batch, dim), jnp.float32),
        mesh=mesh,
        scratch_types=[
            pltpu.VMEM((bpw,), jnp.int32),
            pltpu.VMEM((bpw, dim), jnp.float32),
            pltpu.VMEM_SHARED((ns * 2 * chunk, dim), jnp.float32),
            pltpu.SemaphoreType.DMA,
            pltpu.SemaphoreType.DMA((nb,)),
            pltpu.SemaphoreType.DMA((2,)),
        ],
    )
    return f(ids32, table)

# --- scband reference (transcript-rebuilt; emitter-appended) ---
"""Pipeline reference for scband-dist-embedding-386547057255 (READ-ONLY COPY).

The authoritative reference and input builder live on the scoring server;
editing this copy changes nothing except your own understanding.
"""

import jax, jax.numpy as jnp
import numpy as np

NUM_EMBEDDINGS = 100000
EMBEDDING_DIM = 128
BATCH = 16384


def setup_inputs(seed: int = 0) -> dict:
    key = jax.random.key(seed)
    k_ids, k_tab = jax.random.split(key)
    ids = jax.random.randint(k_ids, (BATCH,), 0, NUM_EMBEDDINGS, dtype=jnp.int64)
    # DistTensor defaults to zeros init, but use small random values so the
    # lookup output is non-degenerate for benchmarking.
    table = jax.random.normal(k_tab, (NUM_EMBEDDINGS, EMBEDDING_DIM), dtype=jnp.float32) * 0.02
    return {"ids": ids, "table": table}


def reference(ids, table):
    # DistEmbedding.forward -> _DistEmbFunction.forward: embs = dist_tensor[ids]
    embs = jnp.take(table, ids, axis=0)
    return embs

if __name__ == "__main__":
    import jax
    _d = setup_inputs()
    print(jax.jit(kernel)(*tuple(_d.values())))

</pallas_src>

<mosaic_0001>
#map = affine_map<(d0, d1) -> (0)>
#map1 = affine_map<(d0, d1) -> (0, 0)>
module attributes {stable_mosaic.version = 14 : i64} {
  func.func @body(%arg0: i32, %arg1: i32, %arg2: memref<16384xi32, #tpu.memory_space<hbm>>, %arg3: memref<100000x128xf32, #tpu.memory_space<hbm>>, %arg4: memref<16384x128xf32, #tpu.memory_space<hbm>>, %arg5: memref<512xi32, #tpu.memory_space<vmem>>, %arg6: memref<512x128xf32, #tpu.memory_space<vmem>>, %arg7: memref<4096x128xf32, #tpu.memory_space<vmem_shared>>, %arg8: memref<!tpu.dma_semaphore, #tpu.memory_space<semaphore_mem>>, %arg9: memref<4x!tpu.dma_semaphore, #tpu.memory_space<semaphore_mem>>, %arg10: memref<2x!tpu.dma_semaphore, #tpu.memory_space<semaphore_mem>>) attributes {dimension_semantics = [#tpu.dimension_semantics<core_parallel>, #tpu.dimension_semantics<subcore_parallel>], iteration_bounds = array<i64: 2, 16>, scalar_prefetch = 0 : i64, scratch_operands = 6 : i64, tpu.core_type = #tpu.core_type<sc_vector_subcore>, window_params = [{transform_indices = #map}, {transform_indices = #map1}, {transform_indices = #map1}]} {
    %mul3A = arith.constant 2 : i32
    %mul3A_0 = arith.muli %arg1, %mul3A : i32
    %add3A = arith.addi %mul3A_0, %arg0 : i32
    %mul3A_1 = arith.constant 512 : i32
    %mul3A_2 = arith.muli %add3A, %mul3A_1 : i32
    %dma_start3A = tpu.memref_slice %arg2[%mul3A_2] : memref<16384xi32, #tpu.memory_space<hbm>> -> memref<512xi32, #tpu.memory_space<hbm>>
    %dma_start3A_3 = tpu.memref_slice %arg2[%mul3A_2] : memref<16384xi32, #tpu.memory_space<hbm>> -> memref<512xi32, #tpu.memory_space<hbm>>
    tpu.enqueue_dma source(%dma_start3A_3 : memref<512xi32, #tpu.memory_space<hbm>>) target(%arg5 : memref<512xi32, #tpu.memory_space<vmem>>) target_semaphore(%arg8 : memref<!tpu.dma_semaphore, #tpu.memory_space<semaphore_mem>>)
    %dma_wait3A = tpu.memref_slice %arg2[%mul3A_2] : memref<16384xi32, #tpu.memory_space<hbm>> -> memref<512xi32, #tpu.memory_space<hbm>>
    %dma_wait3A_4 = tpu.memref_slice %arg2[%mul3A_2] : memref<16384xi32, #tpu.memory_space<hbm>> -> memref<512xi32, #tpu.memory_space<hbm>>
    tpu.wait_dma2 semaphore(%arg8 : memref<!tpu.dma_semaphore, #tpu.memory_space<semaphore_mem>>) src(%dma_wait3A_4 : memref<512xi32, #tpu.memory_space<hbm>>) dst(%arg5 : memref<512xi32, #tpu.memory_space<vmem>>)
    %dma_start3A_5 = arith.constant 0 : i32
    %dma_start3A_6 = arith.constant 0 : i32
    %dma_start3A_7 = arith.constant 0 : i32
    %dma_start3A_8 = tpu.memref_slice %arg6[%dma_start3A_6, %dma_start3A_7] : memref<512x128xf32, #tpu.memory_space<vmem>> -> memref<128x128xf32, #tpu.memory_space<vmem>>
    %dma_start3A_9 = arith.constant 0 : i32
    %dma_start3A_10 = tpu.memref_slice %arg5[%dma_start3A_9] : memref<512xi32, #tpu.memory_space<vmem>> -> memref<128xi32, #tpu.memory_space<vmem>>
    %dma_start3A_11 = arith.constant 0 : i32
    %dma_start3A_12 = arith.constant 0 : i32
    %dma_start3A_13 = tpu.memref_slice %arg3[%dma_start3A_11, %dma_start3A_12] : memref<100000x128xf32, #tpu.memory_space<hbm>> -> memref<100000x128xf32, #tpu.memory_space<hbm>>
    %dma_start3A_14 = tpu.memref_slice %arg9[%dma_start3A_5] : memref<4x!tpu.dma_semaphore, #tpu.memory_space<semaphore_mem>> -> memref<1x!tpu.dma_semaphore, #tpu.memory_space<semaphore_mem>>
    %dma_start3A_15 = tpu.memref_squeeze %dma_start3A_14 : memref<1x!tpu.dma_semaphore, #tpu.memory_space<semaphore_mem>> -> memref<!tpu.dma_semaphore, #tpu.memory_space<semaphore_mem>>
    tpu.enqueue_indirect_dma source(%dma_start3A_13 : memref<100000x128xf32, #tpu.memory_space<hbm>>) target(%dma_start3A_8 : memref<128x128xf32, #tpu.memory_space<vmem>>) offsets(%dma_start3A_10 : memref<128xi32, #tpu.memory_space<vmem>>) semaphore(%dma_start3A_15 : memref<!tpu.dma_semaphore, #tpu.memory_space<semaphore_mem>>)
    %dma_start3A_16 = arith.constant 1 : i32
    %dma_start3A_17 = arith.constant 128 : i32
    %dma_start3A_18 = arith.constant 0 : i32
    %dma_start3A_19 = tpu.memref_slice %arg6[%dma_start3A_17, %dma_start3A_18] : memref<512x128xf32, #tpu.memory_space<vmem>> -> memref<128x128xf32, #tpu.memory_space<vmem>>
    %dma_start3A_20 = arith.constant 128 : i32
    %dma_start3A_21 = tpu.memref_slice %arg5[%dma_start3A_20] : memref<512xi32, #tpu.memory_space<vmem>> -> memref<128xi32, #tpu.memory_space<vmem>>
    %dma_start3A_22 = arith.constant 0 : i32
    %dma_start3A_23 = arith.constant 0 : i32
    %dma_start3A_24 = tpu.memref_slice %arg3[%dma_start3A_22, %dma_start3A_23] : memref<100000x128xf32, #tpu.memory_space<hbm>> -> memref<100000x128xf32, #tpu.memory_space<hbm>>
    %dma_start3A_25 = tpu.memref_slice %arg9[%dma_start3A_16] : memref<4x!tpu.dma_semaphore, #tpu.memory_space<semaphore_mem>> -> memref<1x!tpu.dma_semaphore, #tpu.memory_space<semaphore_mem>>
    %dma_start3A_26 = tpu.memref_squeeze %dma_start3A_25 : memref<1x!tpu.dma_semaphore, #tpu.memory_space<semaphore_mem>> -> memref<!tpu.dma_semaphore, #tpu.memory_space<semaphore_mem>>
    tpu.enqueue_indirect_dma source(%dma_start3A_24 : memref<100000x128xf32, #tpu.memory_space<hbm>>) target(%dma_start3A_19 : memref<128x128xf32, #tpu.memory_space<vmem>>) offsets(%dma_start3A_21 : memref<128xi32, #tpu.memory_space<vmem>>) semaphore(%dma_start3A_26 : memref<!tpu.dma_semaphore, #tpu.memory_space<semaphore_mem>>)
    %dma_start3A_27 = arith.constant 2 : i32
    %dma_start3A_28 = arith.constant 256 : i32
    %dma_start3A_29 = arith.constant 0 : i32
    %dma_start3A_30 = tpu.memref_slice %arg6[%dma_start3A_28, %dma_start3A_29] : memref<512x128xf32, #tpu.memory_space<vmem>> -> memref<128x128xf32, #tpu.memory_space<vmem>>
    %dma_start3A_31 = arith.constant 256 : i32
    %dma_start3A_32 = tpu.memref_slice %arg5[%dma_start3A_31] : memref<512xi32, #tpu.memory_space<vmem>> -> memref<128xi32, #tpu.memory_space<vmem>>
    %dma_start3A_33 = arith.constant 0 : i32
    %dma_start3A_34 = arith.constant 0 : i32
    %dma_start3A_35 = tpu.memref_slice %arg3[%dma_start3A_33, %dma_start3A_34] : memref<100000x128xf32, #tpu.memory_space<hbm>> -> memref<100000x128xf32, #tpu.memory_space<hbm>>
    %dma_start3A_36 = tpu.memref_slice %arg9[%dma_start3A_27] : memref<4x!tpu.dma_semaphore, #tpu.memory_space<semaphore_mem>> -> memref<1x!tpu.dma_semaphore, #tpu.memory_space<semaphore_mem>>
    %dma_start3A_37 = tpu.memref_squeeze %dma_start3A_36 : memref<1x!tpu.dma_semaphore, #tpu.memory_space<semaphore_mem>> -> memref<!tpu.dma_semaphore, #tpu.memory_space<semaphore_mem>>
    tpu.enqueue_indirect_dma source(%dma_start3A_35 : memref<100000x128xf32, #tpu.memory_space<hbm>>) target(%dma_start3A_30 : memref<128x128xf32, #tpu.memory_space<vmem>>) offsets(%dma_start3A_32 : memref<128xi32, #tpu.memory_space<vmem>>) semaphore(%dma_start3A_37 : memref<!tpu.dma_semaphore, #tpu.memory_space<semaphore_mem>>)
    %dma_start3A_38 = arith.constant 3 : i32
    %dma_start3A_39 = arith.constant 384 : i32
    %dma_start3A_40 = arith.constant 0 : i32
    %dma_start3A_41 = tpu.memref_slice %arg6[%dma_start3A_39, %dma_start3A_40] : memref<512x128xf32, #tpu.memory_space<vmem>> -> memref<128x128xf32, #tpu.memory_space<vmem>>
    %dma_start3A_42 = arith.constant 384 : i32
    %dma_start3A_43 = tpu.memref_slice %arg5[%dma_start3A_42] : memref<512xi32, #tpu.memory_space<vmem>> -> memref<128xi32, #tpu.memory_space<vmem>>
    %dma_start3A_44 = arith.constant 0 : i32
    %dma_start3A_45 = arith.constant 0 : i32
    %dma_start3A_46 = tpu.memref_slice %arg3[%dma_start3A_44, %dma_start3A_45] : memref<100000x128xf32, #tpu.memory_space<hbm>> -> memref<100000x128xf32, #tpu.memory_space<hbm>>
    %dma_start3A_47 = tpu.memref_slice %arg9[%dma_start3A_38] : memref<4x!tpu.dma_semaphore, #tpu.memory_space<semaphore_mem>> -> memref<1x!tpu.dma_semaphore, #tpu.memory_space<semaphore_mem>>
    %dma_start3A_48 = tpu.memref_squeeze %dma_start3A_47 : memref<1x!tpu.dma_semaphore, #tpu.memory_space<semaphore_mem>> -> memref<!tpu.dma_semaphore, #tpu.memory_space<semaphore_mem>>
    tpu.enqueue_indirect_dma source(%dma_start3A_46 : memref<100000x128xf32, #tpu.memory_space<hbm>>) target(%dma_start3A_41 : memref<128x128xf32, #tpu.memory_space<vmem>>) offsets(%dma_start3A_43 : memref<128xi32, #tpu.memory_space<vmem>>) semaphore(%dma_start3A_48 : memref<!tpu.dma_semaphore, #tpu.memory_space<semaphore_mem>>)
    %dma_wait3A_49 = arith.constant 0 : i32
    %dma_wait3A_50 = arith.constant 0 : i32
    %dma_wait3A_51 = arith.constant 0 : i32
    %dma_wait3A_52 = tpu.memref_slice %arg6[%dma_wait3A_50, %dma_wait3A_51] : memref<512x128xf32, #tpu.memory_space<vmem>> -> memref<128x128xf32, #tpu.memory_space<vmem>>
    %dma_wait3A_53 = arith.constant 0 : i32
    %dma_wait3A_54 = tpu.memref_slice %arg5[%dma_wait3A_53] : memref<512xi32, #tpu.memory_space<vmem>> -> memref<128xi32, #tpu.memory_space<vmem>>
    %dma_wait3A_55 = arith.constant 0 : i32
    %dma_wait3A_56 = arith.constant 0 : i32
    %dma_wait3A_57 = tpu.memref_slice %arg3[%dma_wait3A_55, %dma_wait3A_56] : memref<100000x128xf32, #tpu.memory_space<hbm>> -> memref<100000x128xf32, #tpu.memory_space<hbm>>
    %dma_wait3A_58 = tpu.memref_slice %arg9[%dma_wait3A_49] : memref<4x!tpu.dma_semaphore, #tpu.memory_space<semaphore_mem>> -> memref<1x!tpu.dma_semaphore, #tpu.memory_space<semaphore_mem>>
    %dma_wait3A_59 = tpu.memref_squeeze %dma_wait3A_58 : memref<1x!tpu.dma_semaphore, #tpu.memory_space<semaphore_mem>> -> memref<!tpu.dma_semaphore, #tpu.memory_space<semaphore_mem>>
    tpu.wait_indirect_dma semaphore(%dma_wait3A_59 : memref<!tpu.dma_semaphore, #tpu.memory_space<semaphore_mem>>) src(%dma_wait3A_57 : memref<100000x128xf32, #tpu.memory_space<hbm>>) dst(%dma_wait3A_52 : memref<128x128xf32, #tpu.memory_space<vmem>>)
    %mul3A_60 = arith.constant 2 : i32
    %mul3A_61 = arith.muli %arg1, %mul3A_60 : i32
    %add3A_62 = arith.constant 0 : i32
    %add3A_63 = arith.addi %mul3A_61, %add3A_62 : i32
    %mul3A_64 = arith.constant 128 : i32
    %mul3A_65 = arith.muli %add3A_63, %mul3A_64 : i32
    "tpu.region"() ({
      %run_scoped3A = tpu.sem_alloc : memref<!tpu.dma_semaphore, #tpu.memory_space<semaphore_mem>>
      %dma_start3A_181 = arith.constant 0 : i32
      %dma_start3A_182 = arith.constant 0 : i32
      %dma_start3A_183 = tpu.memref_slice %arg6[%dma_start3A_181, %dma_start3A_182] : memref<512x128xf32, #tpu.memory_space<vmem>> -> memref<128x128xf32, #tpu.memory_space<vmem>>
      %dma_start3A_184 = arith.constant 0 : i32
      %dma_start3A_185 = tpu.memref_slice %arg7[%mul3A_65, %dma_start3A_184] : memref<4096x128xf32, #tpu.memory_space<vmem_shared>> -> memref<128x128xf32, #tpu.memory_space<vmem_shared>>
      %dma_start3A_186 = arith.constant 0 : i32
      %dma_start3A_187 = tpu.memref_slice %arg7[%mul3A_65, %dma_start3A_186] : memref<4096x128xf32, #tpu.memory_space<vmem_shared>> -> memref<128x128xf32, #tpu.memory_space<vmem_shared>>
      %dma_start3A_188 = arith.constant 0 : i32
      %dma_start3A_189 = arith.constant 0 : i32
      %dma_start3A_190 = tpu.memref_slice %arg6[%dma_start3A_188, %dma_start3A_189] : memref<512x128xf32, #tpu.memory_space<vmem>> -> memref<128x128xf32, #tpu.memory_space<vmem>>
      tpu.enqueue_dma source(%dma_start3A_190 : memref<128x128xf32, #tpu.memory_space<vmem>>) target(%dma_start3A_187 : memref<128x128xf32, #tpu.memory_space<vmem_shared>>) target_semaphore(%run_scoped3A : memref<!tpu.dma_semaphore, #tpu.memory_space<semaphore_mem>>)
      %dma_wait3A_191 = arith.constant 0 : i32
      %dma_wait3A_192 = arith.constant 0 : i32
      %dma_wait3A_193 = tpu.memref_slice %arg6[%dma_wait3A_191, %dma_wait3A_192] : memref<512x128xf32, #tpu.memory_space<vmem>> -> memref<128x128xf32, #tpu.memory_space<vmem>>
      %dma_wait3A_194 = arith.constant 0 : i32
      %dma_wait3A_195 = tpu.memref_slice %arg7[%mul3A_65, %dma_wait3A_194] : memref<4096x128xf32, #tpu.memory_space<vmem_shared>> -> memref<128x128xf32, #tpu.memory_space<vmem_shared>>
      %dma_wait3A_196 = arith.constant 0 : i32
      %dma_wait3A_197 = tpu.memref_slice %arg7[%mul3A_65, %dma_wait3A_196] : memref<4096x128xf32, #tpu.memory_space<vmem_shared>> -> memref<128x128xf32, #tpu.memory_space<vmem_shared>>
      %dma_wait3A_198 = arith.constant 0 : i32
      %dma_wait3A_199 = arith.constant 0 : i32
      %dma_wait3A_200 = tpu.memref_slice %arg6[%dma_wait3A_198, %dma_wait3A_199] : memref<512x128xf32, #tpu.memory_space<vmem>> -> memref<128x128xf32, #tpu.memory_space<vmem>>
      tpu.wait_dma2 semaphore(%run_scoped3A : memref<!tpu.dma_semaphore, #tpu.memory_space<semaphore_mem>>) src(%dma_wait3A_200 : memref<128x128xf32, #tpu.memory_space<vmem>>) dst(%dma_wait3A_197 : memref<128x128xf32, #tpu.memory_space<vmem_shared>>)
      tpu.yield
    }) : () -> ()
    %add3A_66 = arith.constant 0 : i32
    %add3A_67 = arith.addi %mul3A_2, %add3A_66 : i32
    %dma_start3A_68 = arith.constant 0 : i32
    %dma_start3A_69 = tpu.memref_slice %arg10[%dma_start3A_68] : memref<2x!tpu.dma_semaphore, #tpu.memory_space<semaphore_mem>> -> memref<1x!tpu.dma_semaphore, #tpu.memory_space<semaphore_mem>>
    %dma_start3A_70 = tpu.memref_squeeze %dma_start3A_69 : memref<1x!tpu.dma_semaphore, #tpu.memory_space<semaphore_mem>> -> memref<!tpu.dma_semaphore, #tpu.memory_space<semaphore_mem>>
    %dma_start3A_71 = arith.constant 0 : i32
    %dma_start3A_72 = tpu.memref_slice %arg4[%add3A_67, %dma_start3A_71] : memref<16384x128xf32, #tpu.memory_space<hbm>> -> memref<128x128xf32, #tpu.memory_space<hbm>>
    %dma_start3A_73 = arith.constant 0 : i32
    %dma_start3A_74 = tpu.memref_slice %arg7[%mul3A_65, %dma_start3A_73] : memref<4096x128xf32, #tpu.memory_space<vmem_shared>> -> memref<128x128xf32, #tpu.memory_space<vmem_shared>>
    tpu.enqueue_dma source(%dma_start3A_74 : memref<128x128xf32, #tpu.memory_space<vmem_shared>>) target(%dma_start3A_72 : memref<128x128xf32, #tpu.memory_space<hbm>>) target_semaphore(%dma_start3A_70 : memref<!tpu.dma_semaphore, #tpu.memory_space<semaphore_mem>>)
    %dma_wait3A_75 = arith.constant 1 : i32
    %dma_wait3A_76 = arith.constant 128 : i32
    %dma_wait3A_77 = arith.constant 0 : i32
    %dma_wait3A_78 = tpu.memref_slice %arg6[%dma_wait3A_76, %dma_wait3A_77] : memref<512x128xf32, #tpu.memory_space<vmem>> -> memref<128x128xf32, #tpu.memory_space<vmem>>
    %dma_wait3A_79 = arith.constant 128 : i32
    %dma_wait3A_80 = tpu.memref_slice %arg5[%dma_wait3A_79] : memref<512xi32, #tpu.memory_space<vmem>> -> memref<128xi32, #tpu.memory_space<vmem>>
    %dma_wait3A_81 = arith.constant 0 : i32
    %dma_wait3A_82 = arith.constant 0 : i32
    %dma_wait3A_83 = tpu.memref_slice %arg3[%dma_wait3A_81, %dma_wait3A_82] : memref<100000x128xf32, #tpu.memory_space<hbm>> -> memref<100000x128xf32, #tpu.memory_space<hbm>>
    %dma_wait3A_84 = tpu.memref_slice %arg9[%dma_wait3A_75] : memref<4x!tpu.dma_semaphore, #tpu.memory_space<semaphore_mem>> -> memref<1x!tpu.dma_semaphore, #tpu.memory_space<semaphore_mem>>
    %dma_wait3A_85 = tpu.memref_squeeze %dma_wait3A_84 : memref<1x!tpu.dma_semaphore, #tpu.memory_space<semaphore_mem>> -> memref<!tpu.dma_semaphore, #tpu.memory_space<semaphore_mem>>
    tpu.wait_indirect_dma semaphore(%dma_wait3A_85 : memref<!tpu.dma_semaphore, #tpu.memory_space<semaphore_mem>>) src(%dma_wait3A_83 : memref<100000x128xf32, #tpu.memory_space<hbm>>) dst(%dma_wait3A_78 : memref<128x128xf32, #tpu.memory_space<vmem>>)
    %mul3A_86 = arith.constant 2 : i32
    %mul3A_87 = arith.muli %arg1, %mul3A_86 : i32
    %add3A_88 = arith.constant 1 : i32
    %add3A_89 = arith.addi %mul3A_87, %add3A_88 : i32
    %mul3A_90 = arith.constant 128 : i32
    %mul3A_91 = arith.muli %add3A_89, %mul3A_90 : i32
    "tpu.region"() ({
      %run_scoped3A = tpu.sem_alloc : memref<!tpu.dma_semaphore, #tpu.memory_space<semaphore_mem>>
      %dma_start3A_181 = arith.constant 128 : i32
      %dma_start3A_182 = arith.constant 0 : i32
      %dma_start3A_183 = tpu.memref_slice %arg6[%dma_start3A_181, %dma_start3A_182] : memref<512x128xf32, #tpu.memory_space<vmem>> -> memref<128x128xf32, #tpu.memory_space<vmem>>
      %dma_start3A_184 = arith.constant 0 : i32
      %dma_start3A_185 = tpu.memref_slice %arg7[%mul3A_91, %dma_start3A_184] : memref<4096x128xf32, #tpu.memory_space<vmem_shared>> -> memref<128x128xf32, #tpu.memory_space<vmem_shared>>
      %dma_start3A_186 = arith.constant 0 : i32
      %dma_start3A_187 = tpu.memref_slice %arg7[%mul3A_91, %dma_start3A_186] : memref<4096x128xf32, #tpu.memory_space<vmem_shared>> -> memref<128x128xf32, #tpu.memory_space<vmem_shared>>
      %dma_start3A_188 = arith.constant 128 : i32
      %dma_start3A_189 = arith.constant 0 : i32
      %dma_start3A_190 = tpu.memref_slice %arg6[%dma_start3A_188, %dma_start3A_189] : memref<512x128xf32, #tpu.memory_space<vmem>> -> memref<128x128xf32, #tpu.memory_space<vmem>>
      tpu.enqueue_dma source(%dma_start3A_190 : memref<128x128xf32, #tpu.memory_space<vmem>>) target(%dma_start3A_187 : memref<128x128xf32, #tpu.memory_space<vmem_shared>>) target_semaphore(%run_scoped3A : memref<!tpu.dma_semaphore, #tpu.memory_space<semaphore_mem>>)
      %dma_wait3A_191 = arith.constant 128 : i32
      %dma_wait3A_192 = arith.constant 0 : i32
      %dma_wait3A_193 = tpu.memref_slice %arg6[%dma_wait3A_191, %dma_wait3A_192] : memref<512x128xf32, #tpu.memory_space<vmem>> -> memref<128x128xf32, #tpu.memory_space<vmem>>
      %dma_wait3A_194 = arith.constant 0 : i32
      %dma_wait3A_195 = tpu.memref_slice %arg7[%mul3A_91, %dma_wait3A_194] : memref<4096x128xf32, #tpu.memory_space<vmem_shared>> -> memref<128x128xf32, #tpu.memory_space<vmem_shared>>
      %dma_wait3A_196 = arith.constant 0 : i32
      %dma_wait3A_197 = tpu.memref_slice %arg7[%mul3A_91, %dma_wait3A_196] : memref<4096x128xf32, #tpu.memory_space<vmem_shared>> -> memref<128x128xf32, #tpu.memory_space<vmem_shared>>
      %dma_wait3A_198 = arith.constant 128 : i32
      %dma_wait3A_199 = arith.constant 0 : i32
      %dma_wait3A_200 = tpu.memref_slice %arg6[%dma_wait3A_198, %dma_wait3A_199] : memref<512x128xf32, #tpu.memory_space<vmem>> -> memref<128x128xf32, #tpu.memory_space<vmem>>
      tpu.wait_dma2 semaphore(%run_scoped3A : memref<!tpu.dma_semaphore, #tpu.memory_space<semaphore_mem>>) src(%dma_wait3A_200 : memref<128x128xf32, #tpu.memory_space<vmem>>) dst(%dma_wait3A_197 : memref<128x128xf32, #tpu.memory_space<vmem_shared>>)
      tpu.yield
    }) : () -> ()
    %add3A_92 = arith.constant 128 : i32
    %add3A_93 = arith.addi %mul3A_2, %add3A_92 : i32
    %dma_start3A_94 = arith.constant 1 : i32
    %dma_start3A_95 = tpu.memref_slice %arg10[%dma_start3A_94] : memref<2x!tpu.dma_semaphore, #tpu.memory_space<semaphore_mem>> -> memref<1x!tpu.dma_semaphore, #tpu.memory_space<semaphore_mem>>
    %dma_start3A_96 = tpu.memref_squeeze %dma_start3A_95 : memref<1x!tpu.dma_semaphore, #tpu.memory_space<semaphore_mem>> -> memref<!tpu.dma_semaphore, #tpu.memory_space<semaphore_mem>>
    %dma_start3A_97 = arith.constant 0 : i32
    %dma_start3A_98 = tpu.memref_slice %arg4[%add3A_93, %dma_start3A_97] : memref<16384x128xf32, #tpu.memory_space<hbm>> -> memref<128x128xf32, #tpu.memory_space<hbm>>
    %dma_start3A_99 = arith.constant 0 : i32
    %dma_start3A_100 = tpu.memref_slice %arg7[%mul3A_91, %dma_start3A_99] : memref<4096x128xf32, #tpu.memory_space<vmem_shared>> -> memref<128x128xf32, #tpu.memory_space<vmem_shared>>
    tpu.enqueue_dma source(%dma_start3A_100 : memref<128x128xf32, #tpu.memory_space<vmem_shared>>) target(%dma_start3A_98 : memref<128x128xf32, #tpu.memory_space<hbm>>) target_semaphore(%dma_start3A_96 : memref<!tpu.dma_semaphore, #tpu.memory_space<semaphore_mem>>)
    %dma_wait3A_101 = arith.constant 2 : i32
    %dma_wait3A_102 = arith.constant 256 : i32
    %dma_wait3A_103 = arith.constant 0 : i32
    %dma_wait3A_104 = tpu.memref_slice %arg6[%dma_wait3A_102, %dma_wait3A_103] : memref<512x128xf32, #tpu.memory_space<vmem>> -> memref<128x128xf32, #tpu.memory_space<vmem>>
    %dma_wait3A_105 = arith.constant 256 : i32
    %dma_wait3A_106 = tpu.memref_slice %arg5[%dma_wait3A_105] : memref<512xi32, #tpu.memory_space<vmem>> -> memref<128xi32, #tpu.memory_space<vmem>>
    %dma_wait3A_107 = arith.constant 0 : i32
    %dma_wait3A_108 = arith.constant 0 : i32
    %dma_wait3A_109 = tpu.memref_slice %arg3[%dma_wait3A_107, %dma_wait3A_108] : memref<100000x128xf32, #tpu.memory_space<hbm>> -> memref<100000x128xf32, #tpu.memory_space<hbm>>
    %dma_wait3A_110 = tpu.memref_slice %arg9[%dma_wait3A_101] : memref<4x!tpu.dma_semaphore, #tpu.memory_space<semaphore_mem>> -> memref<1x!tpu.dma_semaphore, #tpu.memory_space<semaphore_mem>>
    %dma_wait3A_111 = tpu.memref_squeeze %dma_wait3A_110 : memref<1x!tpu.dma_semaphore, #tpu.memory_space<semaphore_mem>> -> memref<!tpu.dma_semaphore, #tpu.memory_space<semaphore_mem>>
    tpu.wait_indirect_dma semaphore(%dma_wait3A_111 : memref<!tpu.dma_semaphore, #tpu.memory_space<semaphore_mem>>) src(%dma_wait3A_109 : memref<100000x128xf32, #tpu.memory_space<hbm>>) dst(%dma_wait3A_104 : memref<128x128xf32, #tpu.memory_space<vmem>>)
    %mul3A_112 = arith.constant 2 : i32
    %mul3A_113 = arith.muli %arg1, %mul3A_112 : i32
    %add3A_114 = arith.constant 0 : i32
    %add3A_115 = arith.addi %mul3A_113, %add3A_114 : i32
    %mul3A_116 = arith.constant 128 : i32
    %mul3A_117 = arith.muli %add3A_115, %mul3A_116 : i32
    %dma_wait3A_118 = arith.constant 0 : i32
    %dma_wait3A_119 = tpu.memref_slice %arg10[%dma_wait3A_118] : memref<2x!tpu.dma_semaphore, #tpu.memory_space<semaphore_mem>> -> memref<1x!tpu.dma_semaphore, #tpu.memory_space<semaphore_mem>>
    %dma_wait3A_120 = tpu.memref_squeeze %dma_wait3A_119 : memref<1x!tpu.dma_semaphore, #tpu.memory_space<semaphore_mem>> -> memref<!tpu.dma_semaphore, #tpu.memory_space<semaphore_mem>>
    %dma_wait3A_121 = arith.constant 0 : i32
    %dma_wait3A_122 = tpu.memref_slice %arg4[%add3A_67, %dma_wait3A_121] : memref<16384x128xf32, #tpu.memory_space<hbm>> -> memref<128x128xf32, #tpu.memory_space<hbm>>
    %dma_wait3A_123 = arith.constant 0 : i32
    %dma_wait3A_124 = tpu.memref_slice %arg7[%mul3A_65, %dma_wait3A_123] : memref<4096x128xf32, #tpu.memory_space<vmem_shared>> -> memref<128x128xf32, #tpu.memory_space<vmem_shared>>
    tpu.wait_dma2 semaphore(%dma_wait3A_120 : memref<!tpu.dma_semaphore, #tpu.memory_space<semaphore_mem>>) src(%dma_wait3A_124 : memref<128x128xf32, #tpu.memory_space<vmem_shared>>) dst(%dma_wait3A_122 : memref<128x128xf32, #tpu.memory_space<hbm>>)
    "tpu.region"() ({
      %run_scoped3A = tpu.sem_alloc : memref<!tpu.dma_semaphore, #tpu.memory_space<semaphore_mem>>
      %dma_start3A_181 = arith.constant 256 : i32
      %dma_start3A_182 = arith.constant 0 : i32
      %dma_start3A_183 = tpu.memref_slice %arg6[%dma_start3A_181, %dma_start3A_182] : memref<512x128xf32, #tpu.memory_space<vmem>> -> memref<128x128xf32, #tpu.memory_space<vmem>>
      %dma_start3A_184 = arith.constant 0 : i32
      %dma_start3A_185 = tpu.memref_slice %arg7[%mul3A_117, %dma_start3A_184] : memref<4096x128xf32, #tpu.memory_space<vmem_shared>> -> memref<128x128xf32, #tpu.memory_space<vmem_shared>>
      %dma_start3A_186 = arith.constant 0 : i32
      %dma_start3A_187 = tpu.memref_slice %arg7[%mul3A_117, %dma_start3A_186] : memref<4096x128xf32, #tpu.memory_space<vmem_shared>> -> memref<128x128xf32, #tpu.memory_space<vmem_shared>>
      %dma_start3A_188 = arith.constant 256 : i32
      %dma_start3A_189 = arith.constant 0 : i32
      %dma_start3A_190 = tpu.memref_slice %arg6[%dma_start3A_188, %dma_start3A_189] : memref<512x128xf32, #tpu.memory_space<vmem>> -> memref<128x128xf32, #tpu.memory_space<vmem>>
      tpu.enqueue_dma source(%dma_start3A_190 : memref<128x128xf32, #tpu.memory_space<vmem>>) target(%dma_start3A_187 : memref<128x128xf32, #tpu.memory_space<vmem_shared>>) target_semaphore(%run_scoped3A : memref<!tpu.dma_semaphore, #tpu.memory_space<semaphore_mem>>)
      %dma_wait3A_191 = arith.constant 256 : i32
      %dma_wait3A_192 = arith.constant 0 : i32
      %dma_wait3A_193 = tpu.memref_slice %arg6[%dma_wait3A_191, %dma_wait3A_192] : memref<512x128xf32, #tpu.memory_space<vmem>> -> memref<128x128xf32, #tpu.memory_space<vmem>>
      %dma_wait3A_194 = arith.constant 0 : i32
      %dma_wait3A_195 = tpu.memref_slice %arg7[%mul3A_117, %dma_wait3A_194] : memref<4096x128xf32, #tpu.memory_space<vmem_shared>> -> memref<128x128xf32, #tpu.memory_space<vmem_shared>>
      %dma_wait3A_196 = arith.constant 0 : i32
      %dma_wait3A_197 = tpu.memref_slice %arg7[%mul3A_117, %dma_wait3A_196] : memref<4096x128xf32, #tpu.memory_space<vmem_shared>> -> memref<128x128xf32, #tpu.memory_space<vmem_shared>>
      %dma_wait3A_198 = arith.constant 256 : i32
      %dma_wait3A_199 = arith.constant 0 : i32
      %dma_wait3A_200 = tpu.memref_slice %arg6[%dma_wait3A_198, %dma_wait3A_199] : memref<512x128xf32, #tpu.memory_space<vmem>> -> memref<128x128xf32, #tpu.memory_space<vmem>>
      tpu.wait_dma2 semaphore(%run_scoped3A : memref<!tpu.dma_semaphore, #tpu.memory_space<semaphore_mem>>) src(%dma_wait3A_200 : memref<128x128xf32, #tpu.memory_space<vmem>>) dst(%dma_wait3A_197 : memref<128x128xf32, #tpu.memory_space<vmem_shared>>)
      tpu.yield
    }) : () -> ()
    %add3A_125 = arith.constant 256 : i32
    %add3A_126 = arith.addi %mul3A_2, %add3A_125 : i32
    %dma_start3A_127 = arith.constant 0 : i32
    %dma_start3A_128 = tpu.memref_slice %arg10[%dma_start3A_127] : memref<2x!tpu.dma_semaphore, #tpu.memory_space<semaphore_mem>> -> memref<1x!tpu.dma_semaphore, #tpu.memory_space<semaphore_mem>>
    %dma_start3A_129 = tpu.memref_squeeze %dma_start3A_128 : memref<1x!tpu.dma_semaphore, #tpu.memory_space<semaphore_mem>> -> memref<!tpu.dma_semaphore, #tpu.memory_space<semaphore_mem>>
    %dma_start3A_130 = arith.constant 0 : i32
    %dma_start3A_131 = tpu.memref_slice %arg4[%add3A_126, %dma_start3A_130] : memref<16384x128xf32, #tpu.memory_space<hbm>> -> memref<128x128xf32, #tpu.memory_space<hbm>>
    %dma_start3A_132 = arith.constant 0 : i32
    %dma_start3A_133 = tpu.memref_slice %arg7[%mul3A_117, %dma_start3A_132] : memref<4096x128xf32, #tpu.memory_space<vmem_shared>> -> memref<128x128xf32, #tpu.memory_space<vmem_shared>>
    tpu.enqueue_dma source(%dma_start3A_133 : memref<128x128xf32, #tpu.memory_space<vmem_shared>>) target(%dma_start3A_131 : memref<128x128xf32, #tpu.memory_space<hbm>>) target_semaphore(%dma_start3A_129 : memref<!tpu.dma_semaphore, #tpu.memory_space<semaphore_mem>>)
    %dma_wait3A_134 = arith.constant 3 : i32
    %dma_wait3A_135 = arith.constant 384 : i32
    %dma_wait3A_136 = arith.constant 0 : i32
    %dma_wait3A_137 = tpu.memref_slice %arg6[%dma_wait3A_135, %dma_wait3A_136] : memref<512x128xf32, #tpu.memory_space<vmem>> -> memref<128x128xf32, #tpu.memory_space<vmem>>
    %dma_wait3A_138 = arith.constant 384 : i32
    %dma_wait3A_139 = tpu.memref_slice %arg5[%dma_wait3A_138] : memref<512xi32, #tpu.memory_space<vmem>> -> memref<128xi32, #tpu.memory_space<vmem>>
    %dma_wait3A_140 = arith.constant 0 : i32
    %dma_wait3A_141 = arith.constant 0 : i32
    %dma_wait3A_142 = tpu.memref_slice %arg3[%dma_wait3A_140, %dma_wait3A_141] : memref<100000x128xf32, #tpu.memory_space<hbm>> -> memref<100000x128xf32, #tpu.memory_space<hbm>>
    %dma_wait3A_143 = tpu.memref_slice %arg9[%dma_wait3A_134] : memref<4x!tpu.dma_semaphore, #tpu.memory_space<semaphore_mem>> -> memref<1x!tpu.dma_semaphore, #tpu.memory_space<semaphore_mem>>
    %dma_wait3A_144 = tpu.memref_squeeze %dma_wait3A_143 : memref<1x!tpu.dma_semaphore, #tpu.memory_space<semaphore_mem>> -> memref<!tpu.dma_semaphore, #tpu.memory_space<semaphore_mem>>
    tpu.wait_indirect_dma semaphore(%dma_wait3A_144 : memref<!tpu.dma_semaphore, #tpu.memory_space<semaphore_mem>>) src(%dma_wait3A_142 : memref<100000x128xf32, #tpu.memory_space<hbm>>) dst(%dma_wait3A_137 : memref<128x128xf32, #tpu.memory_space<vmem>>)
    %mul3A_145 = arith.constant 2 : i32
    %mul3A_146 = arith.muli %arg1, %mul3A_145 : i32
    %add3A_147 = arith.constant 1 : i32
    %add3A_148 = arith.addi %mul3A_146, %add3A_147 : i32
    %mul3A_149 = arith.constant 128 : i32
    %mul3A_150 = arith.muli %add3A_148, %mul3A_149 : i32
    %dma_wait3A_151 = arith.constant 1 : i32
    %dma_wait3A_152 = tpu.memref_slice %arg10[%dma_wait3A_151] : memref<2x!tpu.dma_semaphore, #tpu.memory_space<semaphore_mem>> -> memref<1x!tpu.dma_semaphore, #tpu.memory_space<semaphore_mem>>
    %dma_wait3A_153 = tpu.memref_squeeze %dma_wait3A_152 : memref<1x!tpu.dma_semaphore, #tpu.memory_space<semaphore_mem>> -> memref<!tpu.dma_semaphore, #tpu.memory_space<semaphore_mem>>
    %dma_wait3A_154 = arith.constant 0 : i32
    %dma_wait3A_155 = tpu.memref_slice %arg4[%add3A_93, %dma_wait3A_154] : memref<16384x128xf32, #tpu.memory_space<hbm>> -> memref<128x128xf32, #tpu.memory_space<hbm>>
    %dma_wait3A_156 = arith.constant 0 : i32
    %dma_wait3A_157 = tpu.memref_slice %arg7[%mul3A_91, %dma_wait3A_156] : memref<4096x128xf32, #tpu.memory_space<vmem_shared>> -> memref<128x128xf32, #tpu.memory_space<vmem_shared>>
    tpu.wait_dma2 semaphore(%dma_wait3A_153 : memref<!tpu.dma_semaphore, #tpu.memory_space<semaphore_mem>>) src(%dma_wait3A_157 : memref<128x128xf32, #tpu.memory_space<vmem_shared>>) dst(%dma_wait3A_155 : memref<128x128xf32, #tpu.memory_space<hbm>>)
    "tpu.region"() ({
      %run_scoped3A = tpu.sem_alloc : memref<!tpu.dma_semaphore, #tpu.memory_space<semaphore_mem>>
      %dma_start3A_181 = arith.constant 384 : i32
      %dma_start3A_182 = arith.constant 0 : i32
      %dma_start3A_183 = tpu.memref_slice %arg6[%dma_start3A_181, %dma_start3A_182] : memref<512x128xf32, #tpu.memory_space<vmem>> -> memref<128x128xf32, #tpu.memory_space<vmem>>
      %dma_start3A_184 = arith.constant 0 : i32
      %dma_start3A_185 = tpu.memref_slice %arg7[%mul3A_150, %dma_start3A_184] : memref<4096x128xf32, #tpu.memory_space<vmem_shared>> -> memref<128x128xf32, #tpu.memory_space<vmem_shared>>
      %dma_start3A_186 = arith.constant 0 : i32
      %dma_start3A_187 = tpu.memref_slice %arg7[%mul3A_150, %dma_start3A_186] : memref<4096x128xf32, #tpu.memory_space<vmem_shared>> -> memref<128x128xf32, #tpu.memory_space<vmem_shared>>
      %dma_start3A_188 = arith.constant 384 : i32
      %dma_start3A_189 = arith.constant 0 : i32
      %dma_start3A_190 = tpu.memref_slice %arg6[%dma_start3A_188, %dma_start3A_189] : memref<512x128xf32, #tpu.memory_space<vmem>> -> memref<128x128xf32, #tpu.memory_space<vmem>>
      tpu.enqueue_dma source(%dma_start3A_190 : memref<128x128xf32, #tpu.memory_space<vmem>>) target(%dma_start3A_187 : memref<128x128xf32, #tpu.memory_space<vmem_shared>>) target_semaphore(%run_scoped3A : memref<!tpu.dma_semaphore, #tpu.memory_space<semaphore_mem>>)
      %dma_wait3A_191 = arith.constant 384 : i32
      %dma_wait3A_192 = arith.constant 0 : i32
      %dma_wait3A_193 = tpu.memref_slice %arg6[%dma_wait3A_191, %dma_wait3A_192] : memref<512x128xf32, #tpu.memory_space<vmem>> -> memref<128x128xf32, #tpu.memory_space<vmem>>
      %dma_wait3A_194 = arith.constant 0 : i32
      %dma_wait3A_195 = tpu.memref_slice %arg7[%mul3A_150, %dma_wait3A_194] : memref<4096x128xf32, #tpu.memory_space<vmem_shared>> -> memref<128x128xf32, #tpu.memory_space<vmem_shared>>
      %dma_wait3A_196 = arith.constant 0 : i32
      %dma_wait3A_197 = tpu.memref_slice %arg7[%mul3A_150, %dma_wait3A_196] : memref<4096x128xf32, #tpu.memory_space<vmem_shared>> -> memref<128x128xf32, #tpu.memory_space<vmem_shared>>
      %dma_wait3A_198 = arith.constant 384 : i32
      %dma_wait3A_199 = arith.constant 0 : i32
      %dma_wait3A_200 = tpu.memref_slice %arg6[%dma_wait3A_198, %dma_wait3A_199] : memref<512x128xf32, #tpu.memory_space<vmem>> -> memref<128x128xf32, #tpu.memory_space<vmem>>
      tpu.wait_dma2 semaphore(%run_scoped3A : memref<!tpu.dma_semaphore, #tpu.memory_space<semaphore_mem>>) src(%dma_wait3A_200 : memref<128x128xf32, #tpu.memory_space<vmem>>) dst(%dma_wait3A_197 : memref<128x128xf32, #tpu.memory_space<vmem_shared>>)
      tpu.yield
    }) : () -> ()
    %add3A_158 = arith.constant 384 : i32
    %add3A_159 = arith.addi %mul3A_2, %add3A_158 : i32
    %dma_start3A_160 = arith.constant 1 : i32
    %dma_start3A_161 = tpu.memref_slice %arg10[%dma_start3A_160] : memref<2x!tpu.dma_semaphore, #tpu.memory_space<semaphore_mem>> -> memref<1x!tpu.dma_semaphore, #tpu.memory_space<semaphore_mem>>
    %dma_start3A_162 = tpu.memref_squeeze %dma_start3A_161 : memref<1x!tpu.dma_semaphore, #tpu.memory_space<semaphore_mem>> -> memref<!tpu.dma_semaphore, #tpu.memory_space<semaphore_mem>>
    %dma_start3A_163 = arith.constant 0 : i32
    %dma_start3A_164 = tpu.memref_slice %arg4[%add3A_159, %dma_start3A_163] : memref<16384x128xf32, #tpu.memory_space<hbm>> -> memref<128x128xf32, #tpu.memory_space<hbm>>
    %dma_start3A_165 = arith.constant 0 : i32
    %dma_start3A_166 = tpu.memref_slice %arg7[%mul3A_150, %dma_start3A_165] : memref<4096x128xf32, #tpu.memory_space<vmem_shared>> -> memref<128x128xf32, #tpu.memory_space<vmem_shared>>
    tpu.enqueue_dma source(%dma_start3A_166 : memref<128x128xf32, #tpu.memory_space<vmem_shared>>) target(%dma_start3A_164 : memref<128x128xf32, #tpu.memory_space<hbm>>) target_semaphore(%dma_start3A_162 : memref<!tpu.dma_semaphore, #tpu.memory_space<semaphore_mem>>)
    %dma_wait3A_167 = arith.constant 0 : i32
    %dma_wait3A_168 = tpu.memref_slice %arg10[%dma_wait3A_167] : memref<2x!tpu.dma_semaphore, #tpu.memory_space<semaphore_mem>> -> memref<1x!tpu.dma_semaphore, #tpu.memory_space<semaphore_mem>>
    %dma_wait3A_169 = tpu.memref_squeeze %dma_wait3A_168 : memref<1x!tpu.dma_semaphore, #tpu.memory_space<semaphore_mem>> -> memref<!tpu.dma_semaphore, #tpu.memory_space<semaphore_mem>>
    %dma_wait3A_170 = arith.constant 0 : i32
    %dma_wait3A_171 = tpu.memref_slice %arg4[%add3A_126, %dma_wait3A_170] : memref<16384x128xf32, #tpu.memory_space<hbm>> -> memref<128x128xf32, #tpu.memory_space<hbm>>
    %dma_wait3A_172 = arith.constant 0 : i32
    %dma_wait3A_173 = tpu.memref_slice %arg7[%mul3A_117, %dma_wait3A_172] : memref<4096x128xf32, #tpu.memory_space<vmem_shared>> -> memref<128x128xf32, #tpu.memory_space<vmem_shared>>
    tpu.wait_dma2 semaphore(%dma_wait3A_169 : memref<!tpu.dma_semaphore, #tpu.memory_space<semaphore_mem>>) src(%dma_wait3A_173 : memref<128x128xf32, #tpu.memory_space<vmem_shared>>) dst(%dma_wait3A_171 : memref<128x128xf32, #tpu.memory_space<hbm>>)
    %dma_wait3A_174 = arith.constant 1 : i32
    %dma_wait3A_175 = tpu.memref_slice %arg10[%dma_wait3A_174] : memref<2x!tpu.dma_semaphore, #tpu.memory_space<semaphore_mem>> -> memref<1x!tpu.dma_semaphore, #tpu.memory_space<semaphore_mem>>
    %dma_wait3A_176 = tpu.memref_squeeze %dma_wait3A_175 : memref<1x!tpu.dma_semaphore, #tpu.memory_space<semaphore_mem>> -> memref<!tpu.dma_semaphore, #tpu.memory_space<semaphore_mem>>
    %dma_wait3A_177 = arith.constant 0 : i32
    %dma_wait3A_178 = tpu.memref_slice %arg4[%add3A_159, %dma_wait3A_177] : memref<16384x128xf32, #tpu.memory_space<hbm>> -> memref<128x128xf32, #tpu.memory_space<hbm>>
    %dma_wait3A_179 = arith.constant 0 : i32
    %dma_wait3A_180 = tpu.memref_slice %arg7[%mul3A_150, %dma_wait3A_179] : memref<4096x128xf32, #tpu.memory_space<vmem_shared>> -> memref<128x128xf32, #tpu.memory_space<vmem_shared>>
    tpu.wait_dma2 semaphore(%dma_wait3A_176 : memref<!tpu.dma_semaphore, #tpu.memory_space<semaphore_mem>>) src(%dma_wait3A_180 : memref<128x128xf32, #tpu.memory_space<vmem_shared>>) dst(%dma_wait3A_178 : memref<128x128xf32, #tpu.memory_space<hbm>>)
    return
  }
}

</mosaic_0001>

<sc_bundles>
// kernel: kernel.3.cloned.1.call-start
scs
__scs_entry_jumppad:
0x0: {  	(pc) =	sbr.rel $0x88, $3  }
0x1: {  	(tag) =	ssettag $0x0;
	lr =	simm.s32 $0x1  }
0x2: {  	[smem:$0x3F9F] =	sst lr;
	_ =	strace $0xD0000000  }
0x3: {  	_ = 	snop  }
0x4: {  	_ = 	snop  }
0x5: {  	_ = 	snop  }
0x6: {  	_ = 	snop  }
0x7: {  	_ = 	snop  }
__scs_overlays_trampoline_lowered:
0x8: {  	[smem:$0x3FAE] =	sst s0  }
0x9: {  	[smem:$0x3FAF] =	sst s1  }
0xa: {  	[smem:$0x3FB0] =	sst s2  }
0xb: {  	[smem:$0x3FB1] =	sst s3  }
0xc: {  	[smem:$0x3FB2] =	sst s4  }
0xd: {  	[smem:$0x3FB3] =	sst s5  }
0xe: {  	[smem:$0x3FB4] =	sst s6  }
0xf: {  	[smem:$0x3FB5] =	sst s7  }
0x10: {  	[smem:$0x3FB6] =	sst s8  }
0x11: {  	[smem:$0x3FB7] =	sst s9;
	s0 =	simm.s32 @!p0 $0x0  }
0x12: {  	s1 =	sld [smem:$0x3F9D];
	s0 =	simm.s32 @p0 $0x1  }
0x13: {  	[smem:$0x3FB8] =	sst s0;
	s0 =	simm.s32 @!p1 $0x0  }
0x14: {  	s2 =	sld [smem:$0x3F9C];
	s0 =	simm.s32 @p1 $0x1  }
0x15: {  	[smem:$0x3FB9] =	sst s0;
	s0 =	simm.s32 @!p2 $0x0  }
0x16: {  	s3 =	sld [smem:$0x3FDB];
	s0 =	simm.s32 @p2 $0x1  }
0x17: {  	s4 =	simm.s32 $0x1BF5;
	[smem:$0x3FBB] =	sst s0  }
0x18: {  	s0 =	sld [smem:$0x3F9E];
	_ =	swait.ge [sflag:s4], $0x0  }
0x19: {  	s7 =	sld [smem:$0x3F9F]  }
0x1a: {  	s8 =	sadd.s32 $0xFFFFE003, lr  }
0x1b: {  	s9 =	sadd.s32 $0xFFFFFEF7, lr;
	s5 =	simm.s32 $0xFFFFFFFF;
	p2 =	slt.u32 s8, $0xFFFFF086  }
0x1c: {  	p1 =	slt.u32 s9, $0xF7A;
	s5 =	simm.s32 @!p2 $0x0  }
0x1d: {  	s5 =	simm.s32 @p1 $0x1;
	p0 =	seq.s32 s7, s2  }
0x1e: {  	s7 =	smul.u32 @!p0 $0xF7A, s2;
	p2 =	seq.s32 @!p0 s5, $0x0  }
0x1f: {  	s9 =	smul.u32 $0xF7A, s1;
	s8 =	simm.s32 @!p0 $0x1BF5;
	p2 =	por !p2, p0  }
0x20: {  	[sflag:s8] =	ssyncset.s32 @!p0 $0xFFFFF086;
	s6 =	sadd.s32 @!p0 s3, s7;
	s7 =	simm.s32 @!p0 $0x108  }
0x21: {  	s3 =	sadd.s32 s3, s9;
	s6 =	sadd.s32 @!p0 $0x88, s6;
	s7 =	simm.s32 @p2 $0x1082  }
0x22: {  	[simem:s7], [sflag:s8] =	dma.local @!p0 [hbm:s6], $0xF7A  }
0x23: {  	s9 =	sor.u32 $0xD0000000, s2;
	s6 =	simm.s32 $0x108;
	_ =	swait.ge @!p0 [sflag:s8], $0x0  }
0x24: {  	s3 =	sadd.s32 $0x88, s3;
	s6 =	simm.s32 @!p1 $0x1082;
	[sflag:s4] =	ssyncset.s32 $0xFFFFF086  }
0x25: {  	[simem:s6], [sflag:s4] =	dma.local [hbm:s3], $0xF7A  }
0x26: {  	[smem:$0x3F9F] =	sst s1;
	(tag) =	ssettag s2;
	_ =	strace s9  }
0x27: {  	s1 =	sld [smem:$0x3FAF]  }
0x28: {  	s2 =	sld [smem:$0x3FB0]  }
0x29: {  	s4 =	sld [smem:$0x3FB2]  }
0x2a: {  	p0 =	seq.s32 s5, $0x0;
	s5 =	sld [smem:$0x3FB3]  }
0x2b: {  	s6 =	sld [smem:$0x3FB4]  }
0x2c: {  	s7 =	sld [smem:$0x3FB5]  }
0x2d: {  	s3 =	simm.s32 $0x108;
	s8 =	sld [smem:$0x3FB6]  }
0x2e: {  	s3 =	simm.s32 @!p0 $0x1082;
	s9 =	sld [smem:$0x3FB7]  }
0x2f: {  	lr =	sadd.s32 s0, s3;
	s0 =	sld [smem:$0x3FAE]  }
0x30: {  	s3 =	sld [smem:$0x3FB1]  }
0x31: {  	[smem:$0x3FBA] =	sst s10  }
0x32: {  	s10 =	sld [smem:$0x3FB8];
	_ =	sdelay $0x3  }
0x33: {  	p0 =	seq.s32 s10, $0x1;
	s10 =	sld [smem:$0x3FBA];
	_ =	sdelay $0x3  }
0x34: {  	[smem:$0x3FBA] =	sst s10  }
0x35: {  	s10 =	sld [smem:$0x3FB9];
	_ =	sdelay $0x3  }
0x36: {  	p1 =	seq.s32 s10, $0x1;
	s10 =	sld [smem:$0x3FBA];
	_ =	sdelay $0x3  }
0x37: {  	[smem:$0x3FBA] =	sst s10  }
0x38: {  	s10 =	sld [smem:$0x3FBB]  }
0x39: {  	_ = 	snop;
	(pc) =	sbr.ind lr, $3  }
0x3a: {  	_ = 	snop  }
0x3b: {  	_ = 	snop  }
0x3c: {  	p2 =	seq.s32 s10, $0x1;
	s10 =	sld [smem:$0x3FBA]  }
0x3d: {  	_ =	shalt  }
0x3e: {  	_ =	shalt  }
0x3f: {  	_ =	shalt  }
0x40: {  	_ =	shalt  }
0x41: {  	_ =	shalt  }
0x42: {  	_ =	shalt  }
0x43: {  	_ =	shalt  }
0x44: {  	_ =	shalt  }
0x45: {  	_ =	shalt  }
0x46: {  	_ =	shalt  }
0x47: {  	_ =	shalt  }
0x48: {  	_ =	shalt  }
0x49: {  	_ =	shalt  }
0x4a: {  	_ =	shalt  }
0x4b: {  	_ =	shalt  }
0x4c: {  	_ =	shalt  }
0x4d: {  	_ =	shalt  }
0x4e: {  	_ =	shalt  }
0x4f: {  	_ =	shalt  }
0x50: {  	_ =	shalt  }
0x51: {  	_ =	shalt  }
0x52: {  	_ =	shalt  }
0x53: {  	_ =	shalt  }
0x54: {  	_ =	shalt  }
0x55: {  	_ =	shalt  }
0x56: {  	_ =	shalt  }
0x57: {  	_ =	shalt  }
0x58: {  	_ =	shalt  }
0x59: {  	_ =	shalt  }
0x5a: {  	_ =	shalt  }
0x5b: {  	_ =	shalt  }
0x5c: {  	_ =	shalt  }
0x5d: {  	_ =	shalt  }
0x5e: {  	_ =	shalt  }
0x5f: {  	_ =	shalt  }
0x60: {  	_ =	shalt  }
0x61: {  	_ =	shalt  }
0x62: {  	_ =	shalt  }
0x63: {  	_ =	shalt  }
0x64: {  	_ =	shalt  }
0x65: {  	_ =	shalt  }
0x66: {  	_ =	shalt  }
0x67: {  	_ =	shalt  }
0x68: {  	_ =	shalt  }
0x69: {  	_ =	shalt  }
0x6a: {  	_ =	shalt  }
0x6b: {  	_ =	shalt  }
0x6c: {  	_ =	shalt  }
0x6d: {  	_ =	shalt  }
0x6e: {  	_ =	shalt  }
0x6f: {  	_ =	shalt  }
0x70: {  	_ =	shalt  }
0x71: {  	_ =	shalt  }
0x72: {  	_ =	shalt  }
0x73: {  	_ =	shalt  }
0x74: {  	_ =	shalt  }
0x75: {  	_ =	shalt  }
0x76: {  	_ =	shalt  }
0x77: {  	_ =	shalt  }
0x78: {  	_ =	shalt  }
0x79: {  	_ =	shalt  }
0x7a: {  	_ =	shalt  }
0x7b: {  	_ =	shalt  }
0x7c: {  	_ =	shalt  }
0x7d: {  	_ =	shalt  }
0x7e: {  	_ =	shalt  }
0x7f: {  	_ =	shalt  }
0x80: {  	_ =	shalt  }
0x81: {  	_ =	shalt  }
0x82: {  	_ =	shalt  }
0x83: {  	_ =	shalt  }
0x84: {  	_ =	shalt  }
0x85: {  	_ =	shalt  }
0x86: {  	_ =	shalt  }
0x87: {  	_ =	shalt  }
.Lfunc_end0:
.L_simem_size_0:
called_computation_lowered:
.L_overlay_start_0:
0x88: {  	s2 =	sld [smem:$0x3FD9]  }
0x89: {  	s3 =	sld [smem:$0x3FFE];
	_ =	sdelay $0x1  }
0x8a: {  	s1 =	srdreg.scid  }
0x8b: {  	s0 =	sand.u32 $0x1, s1  }
0x8c: {  	s18 =	sshll.u32 s0, $0xA;
	s2 =	sadd.s32 s3, s2  }
0x8d: {  	s2 =	sadd.s32 s2, s18  }
0x8e: {  	[smem:$0x3FC6] =	sst s2  }
0x8f: {  	_ = 	snop  }
0x90: {  	s2 =	sld [smem:$0x3FC9]  }
0x91: {  	s19 =	sld [smem:$0x3FC8]  }
0x92: {  	s4 =	sld [smem:$0x3FD0];
	(tm) =	ssettm $0x1  }
0x93: {  	s5 =	sld [smem:$0x3FFB];
	_ =	sdelay $0x3  }
0x94: {  	_ =	strace s5  }
0x95: {  	s5 =	sld [smem:$0x3FFC];
	_ =	sdelay $0x3  }
0x96: {  	_ =	strace s5  }
0x97: {  	s5 =	sld [smem:$0x3FFD];
	_ =	sdelay $0x3  }
0x98: {  	_ =	strace s5  }
0x99: {  	_ =	strace $0x8FFFFFFF  }
0x9a: {  	s20 =	sld [smem:$0x3FDB];
	_ =	sdelay $0x1  }
0x9b: {  	s6 =	simm.s32 $_scs_section_size  }
0x9c: {  	s7 =	simm.s32 $_size__tile_overlayer_lowered;
	s8 =	simm.s32 $_tile_overlayer_lowered  }
0x9d: {  	s23 =	simm.s32 $0x1BFF;
	s22 =	sshll.u32 s8, $0x1;
	s5 =	sadd.s32 s6, s20  }
0x9e: {  	s9 =	simm.s32 $0x0;
	s21 =	sshll.u32 s7, $0x1;
	s7 =	sadd.s32 s22, s5  }
0x9f: {  	[timem:s9], [sflag:s23] =	dma.local [hbm:s7], s21  }
0xa0: {  	_ =	swait.ge [sflag:s23], s21  }
0xa1: {  	s6 =	ssub.s32 $0x0, s21;
	[sflag:s23] =	ssyncset.done $0x0  }
0xa2: {  	[sflag:s23] =	ssyncadd.s32 s6;
	_ =	sdelay $0x1  }
0xa3: {  	s24 =	simm.s32 $0x1B8B  }
0xa4: {  	_ =	swait.ge [sflag:s24], $0x1  }
0xa5: {  	[sflag:s24] =	ssyncset.done $0x0  }
0xa6: {  	s25 =	simm.s32 $0x1B8E;
	[sflag:s24] =	ssyncadd.s32 $0xFFFFFFFF  }
0xa7: {  	s26 =	simm.s32 $execute0_lowered;
	[smem:$0x3FD2] =	sst s25  }
0xa8: {  	s6 =	sshll.u32 s26, $0x1;
	_ =	strace $0x80000046;
	[dreg:$0x1] =	wrdreg $0xFFFFFFFF  }
0xa9: {  	s28 =	simm.s32 $_size_execute0_lowered;
	s5 =	sadd.s32 s5, s6;
	[dreg:$0x0] =	wrdreg $0x0  }
0xaa: {  	s6 =	sshll.u32 s28, $0x1;
	[dreg:$0x2] =	wrdreg s5  }
0xab: {  	[dreg:$0x3] =	wrdreg s6  }
0xac: {  	[dreg:$0x4] =	wrdreg $0xC0  }
0xad: {  	_ =	task [dreg:s9], $0x5FFFF  }
0xae: {  	[dreg:$0x1] =	wrdreg $0xFFFFFFFF  }
0xaf: {  	[dreg:$0x0] =	wrdreg $0x60  }
0xb0: {  	[dreg:$0x2] =	wrdreg s2  }
0xb1: {  	[dreg:$0x3] =	wrdreg s19  }
0xb2: {  	[dreg:$0x4] =	wrdreg s4  }
0xb3: {  	[dreg:$0x5] =	wrdreg $0x102000  }
0xb4: {  	[dreg:$0x6] =	wrdreg $0x9  }
0xb5: {  	_ =	task.clear_ibuf [dreg:s9], $0x7FFFF;
	_ =	strace $0x90000046  }
0xb6: {  	s29 =	simm.s32 $0x9;
	_ =	strace $0x80000048  }
0xb7: {  	_ =	swait.ge [sflag:s29], $0x1  }
0xb8: {  	[sflag:s29] =	ssyncadd.s32 $0xFFFFFFFF  }
0xb9: {  	_ =	strace $0x90000048  }
0xba: {  	_ =	sfence  }
0xbb: {  	s30 =	sld [smem:$0x0];
	_ =	sdelay $0x2  }
0xbc: {  	s31 =	sshll.u32 s1, $0xD;
	s1 =	sshrl.u32 s1, $0x2  }
0xbd: {  	s3 =	sand.u32 $0x4000, s31;
	s1 =	sadd.s32 s1, s30  }
0xbe: {  	s0 =	sor.u32 s3, s0;
	s1 =	sshll.u32 s1, $0x11  }
0xbf: {  	s0 =	sor.u32 s1, s0  }
0xc0: {  	s0 =	sadd.s32 $0x8F2B, s0  }
0xc1: {  	[sflag:s0] =	ssyncadd.remote.s32 $0x1  }
0xc2: {  	_ =	sfence.sel $0xFFFF  }
0xc3: {  	[dreg:$0x0] =	wrdreg $0xFFFFFFFF;
	(pc) =	sbr.abs _section_cstart, $3  }
0xc4: {  	[dreg:$0x1] =	wrdreg $0xFFFFFFFF  }
0xc5: {  	_ =	task.clear_ibuf [dreg:s9], $0x2FFFF;
	_ =	strace $0x9FFFFFFF  }
0xc6: {  	(tm) =	ssettm $0x7FFFFFFF  }
0xc7: {  	_ =	shalt  }
tec
execute0_lowered:
.L_overlay_start_1:
0x0: {  	(tag) =	ssettag $0x1  }
0x1: {  	s4 =	rddreg [dreg:$0x0]  }
0x2: {  	s2 =	rddreg [dreg:$0x1]  }
0x3: {  	s1 =	srdreg.scid;
	s0 =	stileid.u32  }
0x4: {  	s16 =	rddreg [dreg:$0x2];
	s30 =	sand.u32 $0x1, s1;
	s5 =	sshll.u32 s0, $0x1  }
0x5: {  	s14 =	rddreg [dreg:$0x3];
	s3 =	simm.s32 $0x0;
	s17 =	sor.u32 s30, s5  }
0x6: {  	[smem:$0x7FF] =	sst s3;
	s5 =	sshll.u32 s17, $0x6  }
0x7: {  	_ =	strace $0x80000047;
	s4 =	sadd.s32 s4, s5;
	s5 =	simm.s32 $0x1  }
0x8: {  	[tilespmem:s3], [sflag:$0x1] =	stream.linear.gather [hbm4b:s4+s3], $0x200, $0x38;
	[tilespmem:$0x18200] =	vst v63  }
0x9: {  	_ =	swait.ge [sflag:s5], $0x200  }
0xa: {  	[sflag:s5] =	ssyncset.done $0x0  }
0xb: {  	s6 =	simm.s32 $0x80;
	s7 =	simm.s32 $0x200;
	[sflag:s5] =	ssyncadd.s32 $0xFFFFFE00  }
0xc: {  	[tilespmem:s7], [sflag:$0x2] =	stream.indirect.gather [hbm4b:s2+s6], $0x80, s3, s6, $0xb8;
	[tilespmem:$0x18200] =	vst v63  }
0xd: {  	s8 =	simm.s32 $0x4200  }
0xe: {  	[tilespmem:s8], [sflag:$0x3] =	stream.indirect.gather [hbm4b:s2+s6], $0x80, s6, s6, $0xb8;
	[tilespmem:$0x18200] =	vst v63  }
0xf: {  	s9 =	simm.s32 $0x100;
	s10 =	simm.s32 $0x8200  }
0x10: {  	[tilespmem:s10], [sflag:$0x4] =	stream.indirect.gather [hbm4b:s2+s6], $0x80, s9, s6, $0xb8;
	[tilespmem:$0x18200] =	vst v63  }
0x11: {  	s11 =	simm.s32 $0x180;
	s12 =	simm.s32 $0xC200;
	s13 =	simm.s32 $0x2  }
0x12: {  	[tilespmem:s12], [sflag:$0x5] =	stream.indirect.gather [hbm4b:s2+s6], $0x80, s11, s6, $0xb8;
	[tilespmem:$0x18200] =	vst v63  }
0x13: {  	_ =	swait.ge [sflag:s13], $0x4000  }
0x14: {  	s15 =	sshll.u32 s0, $0xF;
	[sflag:s13] =	ssyncset.done $0x0  }
0x15: {  	s14 =	sadd.s32 s15, s14;
	s15 =	simm.s32 $0x8;
	[sflag:s13] =	ssyncadd.s32 $0xFFFFC000  }
0x16: {  	[spmem:s14] =	stream.linear.scatter [tilespmem:s7], [sflag:$0x8], $0x4000, $0x38;
	[tilespmem:$0x18200] =	vst v63  }
0x17: {  	s19 =	simm.s32 $0x3;
	s22 =	sshll.u32 s0, $0x6;
	_ =	swait.ge [sflag:s15], $0x4000  }
0x18: {  	s17 =	sshll.u32 s17, $0xD;
	s18 =	sshrl.u32 s14, $0x3;
	[sflag:s15] =	ssyncset.done $0x0  }
0x19: {  	s16 =	sadd.s32 s16, s17;
	s17 =	sor.u32 $0x1C06, s22;
	[sflag:s15] =	ssyncadd.s32 $0xFFFFC000  }
0x1a: {  	[hbm:s16], [sflag:s17] =	dma.local [spmem:s18], $0x800  }
0x1b: {  	_ =	swait.ge [sflag:s19], $0x4000  }
0x1c: {  	[sflag:s19] =	ssyncset.done $0x0  }
0x1d: {  	s20 =	sadd.s32 $0x4000, s14;
	[sflag:s19] =	ssyncadd.s32 $0xFFFFC000  }
0x1e: {  	[spmem:s20] =	stream.linear.scatter [tilespmem:s8], [sflag:$0x8], $0x4000, $0x38;
	[tilespmem:$0x18200] =	vst v63  }
0x1f: {  	_ =	swait.ge [sflag:s15], $0x4000  }
0x20: {  	s24 =	simm.s32 $0x4;
	s22 =	sor.u32 $0x1C07, s22;
	[sflag:s15] =	ssyncset.done $0x0  }
0x21: {  	s23 =	sshrl.u32 s20, $0x3;
	s21 =	sadd.s32 $0x800, s16;
	[sflag:s15] =	ssyncadd.s32 $0xFFFFC000  }
0x22: {  	[hbm:s21], [sflag:s22] =	dma.local [spmem:s23], $0x800  }
0x23: {  	_ =	swait.ge [sflag:s24], $0x4000  }
0x24: {  	[sflag:s24] =	ssyncset.done $0x0  }
0x25: {  	s25 =	simm.s32 $0x6;
	[sflag:s24] =	ssyncadd.s32 $0xFFFFC000  }
0x26: {  	_ =	swait.ge [sflag:s25], $0x800  }
0x27: {  	[sflag:s25] =	ssyncset.done $0x0  }
0x28: {  	[sflag:s25] =	ssyncadd.s32 $0xFFFFF800  }
0x29: {  	[spmem:s14] =	stream.linear.scatter [tilespmem:s10], [sflag:$0x8], $0x4000, $0x38;
	[tilespmem:$0x18200] =	vst v63  }
0x2a: {  	_ =	swait.ge [sflag:s15], $0x4000  }
0x2b: {  	[sflag:s15] =	ssyncset.done $0x0  }
0x2c: {  	s28 =	simm.s32 $0x5;
	s26 =	sadd.s32 $0x1000, s16;
	[sflag:s15] =	ssyncadd.s32 $0xFFFFC000  }
0x2d: {  	[hbm:s26], [sflag:s17] =	dma.local [spmem:s18], $0x800  }
0x2e: {  	_ =	swait.ge [sflag:s28], $0x4000  }
0x2f: {  	[sflag:s28] =	ssyncset.done $0x0  }
0x30: {  	s29 =	simm.s32 $0x7;
	[sflag:s28] =	ssyncadd.s32 $0xFFFFC000  }
0x31: {  	_ =	swait.ge [sflag:s29], $0x800  }
0x32: {  	s31 =	ssub.s32 $0x2, s30;
	[sflag:s29] =	ssyncset.done $0x0  }
0x33: {  	s1 =	sshrl.u32 s31, $0x1;
	[sflag:s29] =	ssyncadd.s32 $0xFFFFF800  }
0x34: {  	[spmem:s20] =	stream.linear.scatter [tilespmem:s12], [sflag:$0x8], $0x4000, $0x38;
	[tilespmem:$0x18200] =	vst v63  }
0x35: {  	s1 =	ssub.s32 s31, s1;
	_ =	swait.ge [sflag:s15], $0x4000  }
0x36: {  	s1 =	smax.u32 s1, $0x1;
	[sflag:s15] =	ssyncset.done $0x0  }
0x37: {  	s30 =	sadd.s32 $0x1800, s16;
	p0 =	sne.s32 s1, $0x1;
	[sflag:s15] =	ssyncadd.s32 $0xFFFFC000  }
0x38: {  	[hbm:s30], [sflag:s22] =	dma.local [spmem:s23], $0x800  }
.Ltmp0:
0x39: {  	_ =	swait.ge [sflag:s25], $0x800;
	(pc) =	sbr.rel @!p0 .LBB2_2-.Ltmp0, $4  }
0x3a: {  	[sflag:s25] =	ssyncset.done $0x0  }
0x3b: {  	[sflag:s25] =	ssyncadd.s32 $0xFFFFF800  }
0x3c: {  	_ =	swait.ge [sflag:s29], $0x800  }
0x3d: {  	s31 =	sadd.s32 $0xFFFFFFFF, s1;
	[sflag:s29] =	ssyncset.done $0x0  }
.LBB2_1:
0x3e: {  	p0 =	sne.s32 s31, $0x1;
	s31 =	sadd.s32 $0xFFFFFFFF, s31;
	[sflag:s29] =	ssyncadd.s32 $0xFFFFF800  }
0x3f: {  	[tilespmem:s3], [sflag:$0x1] =	stream.linear.gather [hbm4b:s4+s3], $0x200, $0x38;
	[tilespmem:$0x18200] =	vst v63  }
0x40: {  	_ =	swait.ge [sflag:s5], $0x200  }
0x41: {  	[sflag:s5] =	ssyncset.done $0x0  }
0x42: {  	[sflag:s5] =	ssyncadd.s32 $0xFFFFFE00  }
0x43: {  	[tilespmem:s7], [sflag:$0x2] =	stream.indirect.gather [hbm4b:s2+s6], $0x80, s3, s6, $0xb8;
	[tilespmem:$0x18200] =	vst v63  }
0x44: {  	_ = 	snop  }
0x45: {  	[tilespmem:s8], [sflag:$0x3] =	stream.indirect.gather [hbm4b:s2+s6], $0x80, s6, s6, $0xb8;
	[tilespmem:$0x18200] =	vst v63  }
0x46: {  	_ = 	snop  }
0x47: {  	[tilespmem:s10], [sflag:$0x4] =	stream.indirect.gather [hbm4b:s2+s6], $0x80, s9, s6, $0xb8;
	[tilespmem:$0x18200] =	vst v63  }
0x48: {  	_ = 	snop  }
0x49: {  	[tilespmem:s12], [sflag:$0x5] =	stream.indirect.gather [hbm4b:s2+s6], $0x80, s11, s6, $0xb8;
	[tilespmem:$0x18200] =	vst v63  }
0x4a: {  	_ =	swait.ge [sflag:s13], $0x4000  }
0x4b: {  	[sflag:s13] =	ssyncset.done $0x0  }
0x4c: {  	[sflag:s13] =	ssyncadd.s32 $0xFFFFC000  }
0x4d: {  	[spmem:s14] =	stream.linear.scatter [tilespmem:s7], [sflag:$0x8], $0x4000, $0x38;
	[tilespmem:$0x18200] =	vst v63  }
0x4e: {  	_ =	swait.ge [sflag:s15], $0x4000  }
0x4f: {  	[sflag:s15] =	ssyncset.done $0x0  }
0x50: {  	[sflag:s15] =	ssyncadd.s32 $0xFFFFC000  }
0x51: {  	[hbm:s16], [sflag:s17] =	dma.local [spmem:s18], $0x800  }
0x52: {  	_ =	swait.ge [sflag:s19], $0x4000  }
0x53: {  	[sflag:s19] =	ssyncset.done $0x0  }
0x54: {  	[sflag:s19] =	ssyncadd.s32 $0xFFFFC000  }
0x55: {  	[spmem:s20] =	stream.linear.scatter [tilespmem:s8], [sflag:$0x8], $0x4000, $0x38;
	[tilespmem:$0x18200] =	vst v63  }
0x56: {  	_ =	swait.ge [sflag:s15], $0x4000  }
0x57: {  	[sflag:s15] =	ssyncset.done $0x0  }
0x58: {  	[sflag:s15] =	ssyncadd.s32 $0xFFFFC000  }
0x59: {  	[hbm:s21], [sflag:s22] =	dma.local [spmem:s23], $0x800  }
0x5a: {  	_ =	swait.ge [sflag:s24], $0x4000  }
0x5b: {  	[sflag:s24] =	ssyncset.done $0x0  }
0x5c: {  	[sflag:s24] =	ssyncadd.s32 $0xFFFFC000  }
0x5d: {  	_ =	swait.ge [sflag:s25], $0x800  }
0x5e: {  	[sflag:s25] =	ssyncset.done $0x0  }
0x5f: {  	[sflag:s25] =	ssyncadd.s32 $0xFFFFF800  }
0x60: {  	[spmem:s14] =	stream.linear.scatter [tilespmem:s10], [sflag:$0x8], $0x4000, $0x38;
	[tilespmem:$0x18200] =	vst v63  }
0x61: {  	_ =	swait.ge [sflag:s15], $0x4000  }
0x62: {  	[sflag:s15] =	ssyncset.done $0x0  }
0x63: {  	[sflag:s15] =	ssyncadd.s32 $0xFFFFC000  }
0x64: {  	[hbm:s26], [sflag:s17] =	dma.local [spmem:s18], $0x800  }
0x65: {  	_ =	swait.ge [sflag:s28], $0x4000  }
0x66: {  	[sflag:s28] =	ssyncset.done $0x0  }
0x67: {  	[sflag:s28] =	ssyncadd.s32 $0xFFFFC000  }
0x68: {  	_ =	swait.ge [sflag:s29], $0x800  }
0x69: {  	[sflag:s29] =	ssyncset.done $0x0  }
0x6a: {  	[sflag:s29] =	ssyncadd.s32 $0xFFFFF800  }
0x6b: {  	[spmem:s20] =	stream.linear.scatter [tilespmem:s12], [sflag:$0x8], $0x4000, $0x38;
	[tilespmem:$0x18200] =	vst v63  }
0x6c: {  	_ =	swait.ge [sflag:s15], $0x4000  }
0x6d: {  	[sflag:s15] =	ssyncset.done $0x0  }
0x6e: {  	[sflag:s15] =	ssyncadd.s32 $0xFFFFC000  }
0x6f: {  	[hbm:s30], [sflag:s22] =	dma.local [spmem:s23], $0x800  }
.Ltmp1:
0x70: {  	_ =	swait.ge [sflag:s25], $0x800;
	(pc) =	sbr.rel @p0 .LBB2_1-.Ltmp1, $4  }
0x71: {  	[sflag:s25] =	ssyncset.done $0x0  }
0x72: {  	[sflag:s25] =	ssyncadd.s32 $0xFFFFF800  }
0x73: {  	_ =	swait.ge [sflag:s29], $0x800  }
0x74: {  	[sflag:s29] =	ssyncset.done $0x0  }
.LBB2_2:
0x75: {  	[sflag:s29] =	ssyncadd.s32 $0xFFFFF800  }
0x76: {  	_ =	sfence.sel $0x180000  }
0x77: {  	[bflag:$0x0] =	sbarrier.arrive $0xFFFF  }
0x78: {  	_ =	strace $0x90000047  }
0x79: {  	[bflag:$0x2] =	sbarrier.arrive $0xFFFF  }
0x7a: {  	p0 =	sne.s32 s0, $0x0;
	s0 =	rddreg [dreg:$0x4]  }
0x7b: {  	s0 =	sadd.s32 @!p0 $0x100000, s0  }
0x7c: {  	[sflag:s0] =	ssyncadd.tile.s32 @!p0 $0x1;
	_ =	shalt  }
.Lfunc_end2:
_tile_overlayer_lowered:
.L_overlay_start_2:
0x7d: {  	(tag) =	ssettag $0x2  }
0x7e: {  	s0 =	rddreg [dreg:$0x0];
	s2 =	stileid.u32  }
0x7f: {  	s1 =	rddreg [dreg:$0x1];
	p0 =	sne.s32 s2, $0x0  }
0x80: {  	s3 =	rddreg [dreg:$0x2];
	[bflag:$0x3] =	sbarrier.arrive $0xFFFF;
	s2 =	simm.s32 @!p0 $0x1C08  }
0x81: {  	[timem:s3], [sflag:s2] =	dma.local @!p0 [hbm:s0], s1  }
0x82: {  	s0 =	simm.s32 @!p0 $0x8  }
0x83: {  	_ =	swait.ge @!p0 [sflag:s0], s1  }
0x84: {  	s1 =	ssub.s32 @!p0 $0x0, s1;
	[sflag:s0] =	ssyncset.done @!p0 $0x0  }
0x85: {  	[sflag:s0] =	ssyncadd.s32 @!p0 s1  }
0x86: {  	[bflag:$0x3] =	sbarrier.arrive $0xFFFF  }
0x87: {  	_ =	shalt  }

</sc_bundles>
